<compile_context>
chip_gen: v7x
topology: tpu7x:2x2x1
jax: 0.10.2.dev20260603
libtpu: 0.0.44.dev20260713+nightly
codegen_flags: <defaults>
</compile_context>

<pallas_src>
import functools
import jax
import jax.numpy as jnp
from jax import lax
from jax.experimental import pallas as pl
from jax.experimental.pallas import tpu as pltpu
from jax.experimental.pallas import tpu_sc as plsc

LANES = 16
NC, NS = 2, 16
NW = NC * NS
SHARD = 3200

VBLK = 2048


def _sc_scatter(tok_hbm, wphi_hbm, out_hbm, tok_v, phi_v, buf_v):
    n_tok = tok_hbm.shape[0]
    V = out_hbm.shape[0]
    wid = lax.axis_index("s") * NC + lax.axis_index("c")
    base = wid * SHARD
    last_n = V - (NW - 1) * SHARD

    pltpu.sync_copy(tok_hbm, tok_v.at[pl.ds(0, n_tok)])
    pltpu.sync_copy(wphi_hbm, phi_v.at[pl.ds(0, n_tok)])

    lane = lax.iota(jnp.int32, LANES)
    toks_a = tok_v[pl.ds(0, LANES)]
    toks_b = tok_v[pl.ds(LANES, LANES)]
    phis_a = phi_v[pl.ds(0, LANES)]
    phis_b = phi_v[pl.ds(LANES, LANES)]
    def _bcast_lane(vec, n):
        sel = jnp.full((LANES, 1), n, jnp.int32)
        return lax.gather(
            vec, sel,
            dimension_numbers=lax.GatherDimensionNumbers(
                offset_dims=(), collapsed_slice_dims=(0,),
                start_index_map=(0,)),
            slice_sizes=(1,),
            mode=lax.GatherScatterMode.PROMISE_IN_BOUNDS)

    tok_b, phi_b = [], []
    for n in range(n_tok):
        tvec = toks_a if n < LANES else toks_b
        pvec = phis_a if n < LANES else phis_b
        tok_b.append(_bcast_lane(tvec, n % LANES))
        phi_b.append(_bcast_lane(pvec, n % LANES))

    def body(i, carry):
        vids = base + i * LANES + lane
        acc = jnp.zeros((LANES,), jnp.float32)
        for n in range(n_tok):
            acc = acc + jnp.where(vids == tok_b[n], phi_b[n], 0.0)
        buf_v[pl.ds(i * LANES, LANES)] = acc
        return carry

    lax.fori_loop(0, SHARD // LANES, body, 0)

    @pl.when(wid < NW - 1)
    def _():
        pltpu.sync_copy(buf_v, out_hbm.at[pl.ds(base, SHARD)])

    @pl.when(wid == NW - 1)
    def _():
        pltpu.sync_copy(buf_v.at[pl.ds(0, last_n)],
                        out_hbm.at[pl.ds(base, last_n)])


def _bcast_kernel(pen_ref, out_ref):
    out_ref[:, :] = jnp.broadcast_to(pen_ref[:, :], out_ref.shape)


def kernel(level, candidate_logits, tokens, phis, layer_weights):
    B, V = candidate_logits.shape
    n_tok = tokens.shape[0]
    pool_tokens = tokens[:, level]
    w = jnp.cumsum(layer_weights)[level]
    wphi = phis * w

    pad = ((n_tok + LANES - 1) // LANES) * LANES
    mesh = plsc.VectorSubcoreMesh(core_axis_name="c", subcore_axis_name="s")
    pen = pl.kernel(
        _sc_scatter,
        out_type=jax.ShapeDtypeStruct((V,), jnp.float32),
        mesh=mesh,
        scratch_types=[
            pltpu.VMEM((pad,), jnp.int32),
            pltpu.VMEM((pad,), jnp.float32),
            pltpu.VMEM((SHARD,), jnp.float32),
        ],
    )(pool_tokens, wphi)
    pen_col = pen.reshape(V, 1)

    out_vb = pl.pallas_call(
        _bcast_kernel,
        grid=(pl.cdiv(V, VBLK),),
        in_specs=[pl.BlockSpec((VBLK, 1), lambda v: (v, 0))],
        out_specs=pl.BlockSpec((VBLK, B), lambda v: (v, 0)),
        out_shape=jax.ShapeDtypeStruct((V, B), jnp.float32),
    )(pen_col)
    return out_vb.T

# --- scband reference (transcript-rebuilt; emitter-appended) ---
"""Pipeline reference for scband-regret-pool-81716047774305 (READ-ONLY COPY).

The authoritative reference and input builder live on the scoring server;
editing this copy changes nothing except your own understanding.
"""

import jax, jax.numpy as jnp
import numpy as np


def setup_inputs(seed: int = 0) -> dict:
    key = jax.random.key(seed)
    k1, k2, k3 = jax.random.split(key, 3)
    B, V, N, L = 1024, 100000, 20, 3
    candidate_logits = jax.random.normal(k1, (B, V), dtype=jnp.float32)
    # Pool buffers, materialized as if the pool is full (current_size == max_size)
    tokens = jax.random.randint(k2, (N, L), 0, V, dtype=jnp.int32)
    phis = jax.random.uniform(k3, (N,), dtype=jnp.float32)
    layer_weights = jnp.array([0.05, 0.25, 0.7], dtype=jnp.float32)
    level = 2
    return {
        "level": level,
        "candidate_logits": candidate_logits,
        "tokens": tokens,
        "phis": phis,
        "layer_weights": layer_weights,
    }


def reference(level, candidate_logits, tokens, phis, layer_weights):
    # Faithful translation of RegretPool.compute_penalty with a full pool.
    B, V = candidate_logits.shape
    pool_tokens = tokens[:, level]                      # (N,)
    level_cum_weights = jnp.cumsum(layer_weights)       # (L,)
    current_level_weight = level_cum_weights[level]
    v_range = jnp.arange(V, dtype=pool_tokens.dtype)[:, None]   # (V, 1)
    matches = (pool_tokens[None, :] == v_range).astype(jnp.float32)  # (V, N)
    penalty_per_v = matches @ phis                      # (V,) gather/scatter-add equivalent
    penalty_per_v = penalty_per_v * current_level_weight
    penalty = jnp.broadcast_to(penalty_per_v[None, :], (B, V))
    return penalty

if __name__ == "__main__":
    import jax
    _d = setup_inputs()
    print(jax.jit(kernel)(*tuple(_d.values())))

</pallas_src>

<mosaic_0001>
#map = affine_map<(d0, d1) -> (0)>
module attributes {stable_mosaic.version = 14 : i64} {
  func.func @_sc_scatter(%arg0: i32, %arg1: i32, %arg2: memref<20xi32, #tpu.memory_space<hbm>>, %arg3: memref<20xf32, #tpu.memory_space<hbm>>, %arg4: memref<100000xf32, #tpu.memory_space<hbm>>, %arg5: memref<32xi32, #tpu.memory_space<vmem>>, %arg6: memref<32xf32, #tpu.memory_space<vmem>>, %arg7: memref<3200xf32, #tpu.memory_space<vmem>>) attributes {dimension_semantics = [#tpu.dimension_semantics<core_parallel>, #tpu.dimension_semantics<subcore_parallel>], iteration_bounds = array<i64: 2, 16>, scalar_prefetch = 0 : i64, scratch_operands = 3 : i64, tpu.core_type = #tpu.core_type<sc_vector_subcore>, window_params = [{transform_indices = #map}, {transform_indices = #map}, {transform_indices = #map}]} {
    %mul3A = arith.constant 2 : i32
    %mul3A_0 = arith.muli %arg1, %mul3A : i32
    %add3A = arith.addi %mul3A_0, %arg0 : i32
    %mul3A_1 = arith.constant 3200 : i32
    %mul3A_2 = arith.muli %add3A, %mul3A_1 : i32
    "tpu.region"() ({
      %run_scoped3A = tpu.sem_alloc : memref<!tpu.dma_semaphore, #tpu.memory_space<semaphore_mem>>
      %dma_start3A = arith.constant 0 : i32
      %dma_start3A_183 = tpu.memref_slice %arg5[%dma_start3A] : memref<32xi32, #tpu.memory_space<vmem>> -> memref<20xi32, #tpu.memory_space<vmem>>
      %dma_start3A_184 = arith.constant 0 : i32
      %dma_start3A_185 = tpu.memref_slice %arg5[%dma_start3A_184] : memref<32xi32, #tpu.memory_space<vmem>> -> memref<20xi32, #tpu.memory_space<vmem>>
      tpu.enqueue_dma source(%arg2 : memref<20xi32, #tpu.memory_space<hbm>>) target(%dma_start3A_185 : memref<20xi32, #tpu.memory_space<vmem>>) target_semaphore(%run_scoped3A : memref<!tpu.dma_semaphore, #tpu.memory_space<semaphore_mem>>)
      %dma_wait3A = arith.constant 0 : i32
      %dma_wait3A_186 = tpu.memref_slice %arg5[%dma_wait3A] : memref<32xi32, #tpu.memory_space<vmem>> -> memref<20xi32, #tpu.memory_space<vmem>>
      %dma_wait3A_187 = arith.constant 0 : i32
      %dma_wait3A_188 = tpu.memref_slice %arg5[%dma_wait3A_187] : memref<32xi32, #tpu.memory_space<vmem>> -> memref<20xi32, #tpu.memory_space<vmem>>
      tpu.wait_dma2 semaphore(%run_scoped3A : memref<!tpu.dma_semaphore, #tpu.memory_space<semaphore_mem>>) src(%arg2 : memref<20xi32, #tpu.memory_space<hbm>>) dst(%dma_wait3A_188 : memref<20xi32, #tpu.memory_space<vmem>>)
      tpu.yield
    }) : () -> ()
    "tpu.region"() ({
      %run_scoped3A = tpu.sem_alloc : memref<!tpu.dma_semaphore, #tpu.memory_space<semaphore_mem>>
      %dma_start3A = arith.constant 0 : i32
      %dma_start3A_183 = tpu.memref_slice %arg6[%dma_start3A] : memref<32xf32, #tpu.memory_space<vmem>> -> memref<20xf32, #tpu.memory_space<vmem>>
      %dma_start3A_184 = arith.constant 0 : i32
      %dma_start3A_185 = tpu.memref_slice %arg6[%dma_start3A_184] : memref<32xf32, #tpu.memory_space<vmem>> -> memref<20xf32, #tpu.memory_space<vmem>>
      tpu.enqueue_dma source(%arg3 : memref<20xf32, #tpu.memory_space<hbm>>) target(%dma_start3A_185 : memref<20xf32, #tpu.memory_space<vmem>>) target_semaphore(%run_scoped3A : memref<!tpu.dma_semaphore, #tpu.memory_space<semaphore_mem>>)
      %dma_wait3A = arith.constant 0 : i32
      %dma_wait3A_186 = tpu.memref_slice %arg6[%dma_wait3A] : memref<32xf32, #tpu.memory_space<vmem>> -> memref<20xf32, #tpu.memory_space<vmem>>
      %dma_wait3A_187 = arith.constant 0 : i32
      %dma_wait3A_188 = tpu.memref_slice %arg6[%dma_wait3A_187] : memref<32xf32, #tpu.memory_space<vmem>> -> memref<20xf32, #tpu.memory_space<vmem>>
      tpu.wait_dma2 semaphore(%run_scoped3A : memref<!tpu.dma_semaphore, #tpu.memory_space<semaphore_mem>>) src(%arg3 : memref<20xf32, #tpu.memory_space<hbm>>) dst(%dma_wait3A_188 : memref<20xf32, #tpu.memory_space<vmem>>)
      tpu.yield
    }) : () -> ()
    %iota3A = tpu.iota {dimensions = array<i32: 0>} : vector<16xi32>
    %get3A = arith.constant 0 : index
    %get3A_3 = tpu.vector_load %arg5[%get3A] {strides = array<i32>} : memref<32xi32, #tpu.memory_space<vmem>>, vector<16xi32>,
    %get3A_4 = vector.shape_cast %get3A_3 : vector<16xi32> to vector<16xi32>
    %get3A_5 = arith.constant 16 : index
    %get3A_6 = tpu.vector_load %arg5[%get3A_5] {strides = array<i32>} : memref<32xi32, #tpu.memory_space<vmem>>, vector<16xi32>,
    %get3A_7 = vector.shape_cast %get3A_6 : vector<16xi32> to vector<16xi32>
    %get3A_8 = arith.constant 0 : index
    %get3A_9 = tpu.vector_load %arg6[%get3A_8] {strides = array<i32>} : memref<32xf32, #tpu.memory_space<vmem>>, vector<16xf32>,
    %get3A_10 = vector.shape_cast %get3A_9 : vector<16xf32> to vector<16xf32>
    %get3A_11 = arith.constant 16 : index
    %get3A_12 = tpu.vector_load %arg6[%get3A_11] {strides = array<i32>} : memref<32xf32, #tpu.memory_space<vmem>>, vector<16xf32>,
    %get3A_13 = vector.shape_cast %get3A_12 : vector<16xf32> to vector<16xf32>
    %broadcast_in_dim3A = arith.constant 0 : i32
    %broadcast_in_dim3A_14 = vector.broadcast %broadcast_in_dim3A : i32 to vector<16x1xi32>
    %gather3A = vector.shape_cast %broadcast_in_dim3A_14 : vector<16x1xi32> to vector<16xi32>
    %gather3A_15 = tpu.dynamic_gather %get3A_4[%gather3A] in [0] : vector<16xi32>, vector<16xi32> -> vector<16xi32>
    %broadcast_in_dim3A_16 = arith.constant 0 : i32
    %broadcast_in_dim3A_17 = vector.broadcast %broadcast_in_dim3A_16 : i32 to vector<16x1xi32>
    %gather3A_18 = vector.shape_cast %broadcast_in_dim3A_17 : vector<16x1xi32> to vector<16xi32>
    %gather3A_19 = tpu.dynamic_gather %get3A_10[%gather3A_18] in [0] : vector<16xf32>, vector<16xi32> -> vector<16xf32>
    %broadcast_in_dim3A_20 = arith.constant 1 : i32
    %broadcast_in_dim3A_21 = vector.broadcast %broadcast_in_dim3A_20 : i32 to vector<16x1xi32>
    %gather3A_22 = vector.shape_cast %broadcast_in_dim3A_21 : vector<16x1xi32> to vector<16xi32>
    %gather3A_23 = tpu.dynamic_gather %get3A_4[%gather3A_22] in [0] : vector<16xi32>, vector<16xi32> -> vector<16xi32>
    %broadcast_in_dim3A_24 = arith.constant 1 : i32
    %broadcast_in_dim3A_25 = vector.broadcast %broadcast_in_dim3A_24 : i32 to vector<16x1xi32>
    %gather3A_26 = vector.shape_cast %broadcast_in_dim3A_25 : vector<16x1xi32> to vector<16xi32>
    %gather3A_27 = tpu.dynamic_gather %get3A_10[%gather3A_26] in [0] : vector<16xf32>, vector<16xi32> -> vector<16xf32>
    %broadcast_in_dim3A_28 = arith.constant 2 : i32
    %broadcast_in_dim3A_29 = vector.broadcast %broadcast_in_dim3A_28 : i32 to vector<16x1xi32>
    %gather3A_30 = vector.shape_cast %broadcast_in_dim3A_29 : vector<16x1xi32> to vector<16xi32>
    %gather3A_31 = tpu.dynamic_gather %get3A_4[%gather3A_30] in [0] : vector<16xi32>, vector<16xi32> -> vector<16xi32>
    %broadcast_in_dim3A_32 = arith.constant 2 : i32
    %broadcast_in_dim3A_33 = vector.broadcast %broadcast_in_dim3A_32 : i32 to vector<16x1xi32>
    %gather3A_34 = vector.shape_cast %broadcast_in_dim3A_33 : vector<16x1xi32> to vector<16xi32>
    %gather3A_35 = tpu.dynamic_gather %get3A_10[%gather3A_34] in [0] : vector<16xf32>, vector<16xi32> -> vector<16xf32>
    %broadcast_in_dim3A_36 = arith.constant 3 : i32
    %broadcast_in_dim3A_37 = vector.broadcast %broadcast_in_dim3A_36 : i32 to vector<16x1xi32>
    %gather3A_38 = vector.shape_cast %broadcast_in_dim3A_37 : vector<16x1xi32> to vector<16xi32>
    %gather3A_39 = tpu.dynamic_gather %get3A_4[%gather3A_38] in [0] : vector<16xi32>, vector<16xi32> -> vector<16xi32>
    %broadcast_in_dim3A_40 = arith.constant 3 : i32
    %broadcast_in_dim3A_41 = vector.broadcast %broadcast_in_dim3A_40 : i32 to vector<16x1xi32>
    %gather3A_42 = vector.shape_cast %broadcast_in_dim3A_41 : vector<16x1xi32> to vector<16xi32>
    %gather3A_43 = tpu.dynamic_gather %get3A_10[%gather3A_42] in [0] : vector<16xf32>, vector<16xi32> -> vector<16xf32>
    %broadcast_in_dim3A_44 = arith.constant 4 : i32
    %broadcast_in_dim3A_45 = vector.broadcast %broadcast_in_dim3A_44 : i32 to vector<16x1xi32>
    %gather3A_46 = vector.shape_cast %broadcast_in_dim3A_45 : vector<16x1xi32> to vector<16xi32>
    %gather3A_47 = tpu.dynamic_gather %get3A_4[%gather3A_46] in [0] : vector<16xi32>, vector<16xi32> -> vector<16xi32>
    %broadcast_in_dim3A_48 = arith.constant 4 : i32
    %broadcast_in_dim3A_49 = vector.broadcast %broadcast_in_dim3A_48 : i32 to vector<16x1xi32>
    %gather3A_50 = vector.shape_cast %broadcast_in_dim3A_49 : vector<16x1xi32> to vector<16xi32>
    %gather3A_51 = tpu.dynamic_gather %get3A_10[%gather3A_50] in [0] : vector<16xf32>, vector<16xi32> -> vector<16xf32>
    %broadcast_in_dim3A_52 = arith.constant 5 : i32
    %broadcast_in_dim3A_53 = vector.broadcast %broadcast_in_dim3A_52 : i32 to vector<16x1xi32>
    %gather3A_54 = vector.shape_cast %broadcast_in_dim3A_53 : vector<16x1xi32> to vector<16xi32>
    %gather3A_55 = tpu.dynamic_gather %get3A_4[%gather3A_54] in [0] : vector<16xi32>, vector<16xi32> -> vector<16xi32>
    %broadcast_in_dim3A_56 = arith.constant 5 : i32
    %broadcast_in_dim3A_57 = vector.broadcast %broadcast_in_dim3A_56 : i32 to vector<16x1xi32>
    %gather3A_58 = vector.shape_cast %broadcast_in_dim3A_57 : vector<16x1xi32> to vector<16xi32>
    %gather3A_59 = tpu.dynamic_gather %get3A_10[%gather3A_58] in [0] : vector<16xf32>, vector<16xi32> -> vector<16xf32>
    %broadcast_in_dim3A_60 = arith.constant 6 : i32
    %broadcast_in_dim3A_61 = vector.broadcast %broadcast_in_dim3A_60 : i32 to vector<16x1xi32>
    %gather3A_62 = vector.shape_cast %broadcast_in_dim3A_61 : vector<16x1xi32> to vector<16xi32>
    %gather3A_63 = tpu.dynamic_gather %get3A_4[%gather3A_62] in [0] : vector<16xi32>, vector<16xi32> -> vector<16xi32>
    %broadcast_in_dim3A_64 = arith.constant 6 : i32
    %broadcast_in_dim3A_65 = vector.broadcast %broadcast_in_dim3A_64 : i32 to vector<16x1xi32>
    %gather3A_66 = vector.shape_cast %broadcast_in_dim3A_65 : vector<16x1xi32> to vector<16xi32>
    %gather3A_67 = tpu.dynamic_gather %get3A_10[%gather3A_66] in [0] : vector<16xf32>, vector<16xi32> -> vector<16xf32>
    %broadcast_in_dim3A_68 = arith.constant 7 : i32
    %broadcast_in_dim3A_69 = vector.broadcast %broadcast_in_dim3A_68 : i32 to vector<16x1xi32>
    %gather3A_70 = vector.shape_cast %broadcast_in_dim3A_69 : vector<16x1xi32> to vector<16xi32>
    %gather3A_71 = tpu.dynamic_gather %get3A_4[%gather3A_70] in [0] : vector<16xi32>, vector<16xi32> -> vector<16xi32>
    %broadcast_in_dim3A_72 = arith.constant 7 : i32
    %broadcast_in_dim3A_73 = vector.broadcast %broadcast_in_dim3A_72 : i32 to vector<16x1xi32>
    %gather3A_74 = vector.shape_cast %broadcast_in_dim3A_73 : vector<16x1xi32> to vector<16xi32>
    %gather3A_75 = tpu.dynamic_gather %get3A_10[%gather3A_74] in [0] : vector<16xf32>, vector<16xi32> -> vector<16xf32>
    %broadcast_in_dim3A_76 = arith.constant 8 : i32
    %broadcast_in_dim3A_77 = vector.broadcast %broadcast_in_dim3A_76 : i32 to vector<16x1xi32>
    %gather3A_78 = vector.shape_cast %broadcast_in_dim3A_77 : vector<16x1xi32> to vector<16xi32>
    %gather3A_79 = tpu.dynamic_gather %get3A_4[%gather3A_78] in [0] : vector<16xi32>, vector<16xi32> -> vector<16xi32>
    %broadcast_in_dim3A_80 = arith.constant 8 : i32
    %broadcast_in_dim3A_81 = vector.broadcast %broadcast_in_dim3A_80 : i32 to vector<16x1xi32>
    %gather3A_82 = vector.shape_cast %broadcast_in_dim3A_81 : vector<16x1xi32> to vector<16xi32>
    %gather3A_83 = tpu.dynamic_gather %get3A_10[%gather3A_82] in [0] : vector<16xf32>, vector<16xi32> -> vector<16xf32>
    %broadcast_in_dim3A_84 = arith.constant 9 : i32
    %broadcast_in_dim3A_85 = vector.broadcast %broadcast_in_dim3A_84 : i32 to vector<16x1xi32>
    %gather3A_86 = vector.shape_cast %broadcast_in_dim3A_85 : vector<16x1xi32> to vector<16xi32>
    %gather3A_87 = tpu.dynamic_gather %get3A_4[%gather3A_86] in [0] : vector<16xi32>, vector<16xi32> -> vector<16xi32>
    %broadcast_in_dim3A_88 = arith.constant 9 : i32
    %broadcast_in_dim3A_89 = vector.broadcast %broadcast_in_dim3A_88 : i32 to vector<16x1xi32>
    %gather3A_90 = vector.shape_cast %broadcast_in_dim3A_89 : vector<16x1xi32> to vector<16xi32>
    %gather3A_91 = tpu.dynamic_gather %get3A_10[%gather3A_90] in [0] : vector<16xf32>, vector<16xi32> -> vector<16xf32>
    %broadcast_in_dim3A_92 = arith.constant 10 : i32
    %broadcast_in_dim3A_93 = vector.broadcast %broadcast_in_dim3A_92 : i32 to vector<16x1xi32>
    %gather3A_94 = vector.shape_cast %broadcast_in_dim3A_93 : vector<16x1xi32> to vector<16xi32>
    %gather3A_95 = tpu.dynamic_gather %get3A_4[%gather3A_94] in [0] : vector<16xi32>, vector<16xi32> -> vector<16xi32>
    %broadcast_in_dim3A_96 = arith.constant 10 : i32
    %broadcast_in_dim3A_97 = vector.broadcast %broadcast_in_dim3A_96 : i32 to vector<16x1xi32>
    %gather3A_98 = vector.shape_cast %broadcast_in_dim3A_97 : vector<16x1xi32> to vector<16xi32>
    %gather3A_99 = tpu.dynamic_gather %get3A_10[%gather3A_98] in [0] : vector<16xf32>, vector<16xi32> -> vector<16xf32>
    %broadcast_in_dim3A_100 = arith.constant 11 : i32
    %broadcast_in_dim3A_101 = vector.broadcast %broadcast_in_dim3A_100 : i32 to vector<16x1xi32>
    %gather3A_102 = vector.shape_cast %broadcast_in_dim3A_101 : vector<16x1xi32> to vector<16xi32>
    %gather3A_103 = tpu.dynamic_gather %get3A_4[%gather3A_102] in [0] : vector<16xi32>, vector<16xi32> -> vector<16xi32>
    %broadcast_in_dim3A_104 = arith.constant 11 : i32
    %broadcast_in_dim3A_105 = vector.broadcast %broadcast_in_dim3A_104 : i32 to vector<16x1xi32>
    %gather3A_106 = vector.shape_cast %broadcast_in_dim3A_105 : vector<16x1xi32> to vector<16xi32>
    %gather3A_107 = tpu.dynamic_gather %get3A_10[%gather3A_106] in [0] : vector<16xf32>, vector<16xi32> -> vector<16xf32>
    %broadcast_in_dim3A_108 = arith.constant 12 : i32
    %broadcast_in_dim3A_109 = vector.broadcast %broadcast_in_dim3A_108 : i32 to vector<16x1xi32>
    %gather3A_110 = vector.shape_cast %broadcast_in_dim3A_109 : vector<16x1xi32> to vector<16xi32>
    %gather3A_111 = tpu.dynamic_gather %get3A_4[%gather3A_110] in [0] : vector<16xi32>, vector<16xi32> -> vector<16xi32>
    %broadcast_in_dim3A_112 = arith.constant 12 : i32
    %broadcast_in_dim3A_113 = vector.broadcast %broadcast_in_dim3A_112 : i32 to vector<16x1xi32>
    %gather3A_114 = vector.shape_cast %broadcast_in_dim3A_113 : vector<16x1xi32> to vector<16xi32>
    %gather3A_115 = tpu.dynamic_gather %get3A_10[%gather3A_114] in [0] : vector<16xf32>, vector<16xi32> -> vector<16xf32>
    %broadcast_in_dim3A_116 = arith.constant 13 : i32
    %broadcast_in_dim3A_117 = vector.broadcast %broadcast_in_dim3A_116 : i32 to vector<16x1xi32>
    %gather3A_118 = vector.shape_cast %broadcast_in_dim3A_117 : vector<16x1xi32> to vector<16xi32>
    %gather3A_119 = tpu.dynamic_gather %get3A_4[%gather3A_118] in [0] : vector<16xi32>, vector<16xi32> -> vector<16xi32>
    %broadcast_in_dim3A_120 = arith.constant 13 : i32
    %broadcast_in_dim3A_121 = vector.broadcast %broadcast_in_dim3A_120 : i32 to vector<16x1xi32>
    %gather3A_122 = vector.shape_cast %broadcast_in_dim3A_121 : vector<16x1xi32> to vector<16xi32>
    %gather3A_123 = tpu.dynamic_gather %get3A_10[%gather3A_122] in [0] : vector<16xf32>, vector<16xi32> -> vector<16xf32>
    %broadcast_in_dim3A_124 = arith.constant 14 : i32
    %broadcast_in_dim3A_125 = vector.broadcast %broadcast_in_dim3A_124 : i32 to vector<16x1xi32>
    %gather3A_126 = vector.shape_cast %broadcast_in_dim3A_125 : vector<16x1xi32> to vector<16xi32>
    %gather3A_127 = tpu.dynamic_gather %get3A_4[%gather3A_126] in [0] : vector<16xi32>, vector<16xi32> -> vector<16xi32>
    %broadcast_in_dim3A_128 = arith.constant 14 : i32
    %broadcast_in_dim3A_129 = vector.broadcast %broadcast_in_dim3A_128 : i32 to vector<16x1xi32>
    %gather3A_130 = vector.shape_cast %broadcast_in_dim3A_129 : vector<16x1xi32> to vector<16xi32>
    %gather3A_131 = tpu.dynamic_gather %get3A_10[%gather3A_130] in [0] : vector<16xf32>, vector<16xi32> -> vector<16xf32>
    %broadcast_in_dim3A_132 = arith.constant 15 : i32
    %broadcast_in_dim3A_133 = vector.broadcast %broadcast_in_dim3A_132 : i32 to vector<16x1xi32>
    %gather3A_134 = vector.shape_cast %broadcast_in_dim3A_133 : vector<16x1xi32> to vector<16xi32>
    %gather3A_135 = tpu.dynamic_gather %get3A_4[%gather3A_134] in [0] : vector<16xi32>, vector<16xi32> -> vector<16xi32>
    %broadcast_in_dim3A_136 = arith.constant 15 : i32
    %broadcast_in_dim3A_137 = vector.broadcast %broadcast_in_dim3A_136 : i32 to vector<16x1xi32>
    %gather3A_138 = vector.shape_cast %broadcast_in_dim3A_137 : vector<16x1xi32> to vector<16xi32>
    %gather3A_139 = tpu.dynamic_gather %get3A_10[%gather3A_138] in [0] : vector<16xf32>, vector<16xi32> -> vector<16xf32>
    %broadcast_in_dim3A_140 = arith.constant 0 : i32
    %broadcast_in_dim3A_141 = vector.broadcast %broadcast_in_dim3A_140 : i32 to vector<16x1xi32>
    %gather3A_142 = vector.shape_cast %broadcast_in_dim3A_141 : vector<16x1xi32> to vector<16xi32>
    %gather3A_143 = tpu.dynamic_gather %get3A_7[%gather3A_142] in [0] : vector<16xi32>, vector<16xi32> -> vector<16xi32>
    %broadcast_in_dim3A_144 = arith.constant 0 : i32
    %broadcast_in_dim3A_145 = vector.broadcast %broadcast_in_dim3A_144 : i32 to vector<16x1xi32>
    %gather3A_146 = vector.shape_cast %broadcast_in_dim3A_145 : vector<16x1xi32> to vector<16xi32>
    %gather3A_147 = tpu.dynamic_gather %get3A_13[%gather3A_146] in [0] : vector<16xf32>, vector<16xi32> -> vector<16xf32>
    %broadcast_in_dim3A_148 = arith.constant 1 : i32
    %broadcast_in_dim3A_149 = vector.broadcast %broadcast_in_dim3A_148 : i32 to vector<16x1xi32>
    %gather3A_150 = vector.shape_cast %broadcast_in_dim3A_149 : vector<16x1xi32> to vector<16xi32>
    %gather3A_151 = tpu.dynamic_gather %get3A_7[%gather3A_150] in [0] : vector<16xi32>, vector<16xi32> -> vector<16xi32>
    %broadcast_in_dim3A_152 = arith.constant 1 : i32
    %broadcast_in_dim3A_153 = vector.broadcast %broadcast_in_dim3A_152 : i32 to vector<16x1xi32>
    %gather3A_154 = vector.shape_cast %broadcast_in_dim3A_153 : vector<16x1xi32> to vector<16xi32>
    %gather3A_155 = tpu.dynamic_gather %get3A_13[%gather3A_154] in [0] : vector<16xf32>, vector<16xi32> -> vector<16xf32>
    %broadcast_in_dim3A_156 = arith.constant 2 : i32
    %broadcast_in_dim3A_157 = vector.broadcast %broadcast_in_dim3A_156 : i32 to vector<16x1xi32>
    %gather3A_158 = vector.shape_cast %broadcast_in_dim3A_157 : vector<16x1xi32> to vector<16xi32>
    %gather3A_159 = tpu.dynamic_gather %get3A_7[%gather3A_158] in [0] : vector<16xi32>, vector<16xi32> -> vector<16xi32>
    %broadcast_in_dim3A_160 = arith.constant 2 : i32
    %broadcast_in_dim3A_161 = vector.broadcast %broadcast_in_dim3A_160 : i32 to vector<16x1xi32>
    %gather3A_162 = vector.shape_cast %broadcast_in_dim3A_161 : vector<16x1xi32> to vector<16xi32>
    %gather3A_163 = tpu.dynamic_gather %get3A_13[%gather3A_162] in [0] : vector<16xf32>, vector<16xi32> -> vector<16xf32>
    %broadcast_in_dim3A_164 = arith.constant 3 : i32
    %broadcast_in_dim3A_165 = vector.broadcast %broadcast_in_dim3A_164 : i32 to vector<16x1xi32>
    %gather3A_166 = vector.shape_cast %broadcast_in_dim3A_165 : vector<16x1xi32> to vector<16xi32>
    %gather3A_167 = tpu.dynamic_gather %get3A_7[%gather3A_166] in [0] : vector<16xi32>, vector<16xi32> -> vector<16xi32>
    %broadcast_in_dim3A_168 = arith.constant 3 : i32
    %broadcast_in_dim3A_169 = vector.broadcast %broadcast_in_dim3A_168 : i32 to vector<16x1xi32>
    %gather3A_170 = vector.shape_cast %broadcast_in_dim3A_169 : vector<16x1xi32> to vector<16xi32>
    %gather3A_171 = tpu.dynamic_gather %get3A_13[%gather3A_170] in [0] : vector<16xf32>, vector<16xi32> -> vector<16xf32>
    %scan3A = arith.constant 0 : i32
    %scan3A_172 = arith.constant 0 : i32
    %scan3A_173 = arith.constant 200 : i32
    %scan3A_174 = arith.addi %scan3A_172, %scan3A_173 : i32
    %scan3A_175 = arith.constant 1 : i32
    scf.for %scan3A_183 = %scan3A_172 to %scan3A_174 step %scan3A_175  : i32 {
      %mul3A_184 = arith.constant 16 : i32
      %mul3A_185 = arith.muli %scan3A_183, %mul3A_184 : i32
      %add3A_186 = arith.addi %mul3A_2, %mul3A_185 : i32
      %add3A_187 = vector.broadcast %add3A_186 : i32 to vector<16xi32>
      %add3A_188 = arith.addi %add3A_187, %iota3A : vector<16xi32>
      %broadcast_in_dim3A_189 = arith.constant 0.000000e+00 : f32
      %broadcast_in_dim3A_190 = vector.broadcast %broadcast_in_dim3A_189 : f32 to vector<16xf32>
      %eq3A_191 = arith.cmpi eq, %add3A_188, %gather3A_15 : vector<16xi32>
      %jit3A = arith.constant 0.000000e+00 : f32
      %broadcast_in_dim3A_192 = vector.broadcast %jit3A : f32 to vector<16xf32>
      %select_n3A = arith.select %eq3A_191, %gather3A_19, %broadcast_in_dim3A_192 : vector<16xi1>, vector<16xf32>
      %add3A_193 = arith.addf %broadcast_in_dim3A_190, %select_n3A : vector<16xf32>
      %eq3A_194 = arith.cmpi eq, %add3A_188, %gather3A_23 : vector<16xi32>
      %jit3A_195 = arith.constant 0.000000e+00 : f32
      %broadcast_in_dim3A_196 = vector.broadcast %jit3A_195 : f32 to vector<16xf32>
      %select_n3A_197 = arith.select %eq3A_194, %gather3A_27, %broadcast_in_dim3A_196 : vector<16xi1>, vector<16xf32>
      %add3A_198 = arith.addf %add3A_193, %select_n3A_197 : vector<16xf32>
      %eq3A_199 = arith.cmpi eq, %add3A_188, %gather3A_31 : vector<16xi32>
      %jit3A_200 = arith.constant 0.000000e+00 : f32
      %broadcast_in_dim3A_201 = vector.broadcast %jit3A_200 : f32 to vector<16xf32>
      %select_n3A_202 = arith.select %eq3A_199, %gather3A_35, %broadcast_in_dim3A_201 : vector<16xi1>, vector<16xf32>
      %add3A_203 = arith.addf %add3A_198, %select_n3A_202 : vector<16xf32>
      %eq3A_204 = arith.cmpi eq, %add3A_188, %gather3A_39 : vector<16xi32>
      %jit3A_205 = arith.constant 0.000000e+00 : f32
      %broadcast_in_dim3A_206 = vector.broadcast %jit3A_205 : f32 to vector<16xf32>
      %select_n3A_207 = arith.select %eq3A_204, %gather3A_43, %broadcast_in_dim3A_206 : vector<16xi1>, vector<16xf32>
      %add3A_208 = arith.addf %add3A_203, %select_n3A_207 : vector<16xf32>
      %eq3A_209 = arith.cmpi eq, %add3A_188, %gather3A_47 : vector<16xi32>
      %jit3A_210 = arith.constant 0.000000e+00 : f32
      %broadcast_in_dim3A_211 = vector.broadcast %jit3A_210 : f32 to vector<16xf32>
      %select_n3A_212 = arith.select %eq3A_209, %gather3A_51, %broadcast_in_dim3A_211 : vector<16xi1>, vector<16xf32>
      %add3A_213 = arith.addf %add3A_208, %select_n3A_212 : vector<16xf32>
      %eq3A_214 = arith.cmpi eq, %add3A_188, %gather3A_55 : vector<16xi32>
      %jit3A_215 = arith.constant 0.000000e+00 : f32
      %broadcast_in_dim3A_216 = vector.broadcast %jit3A_215 : f32 to vector<16xf32>
      %select_n3A_217 = arith.select %eq3A_214, %gather3A_59, %broadcast_in_dim3A_216 : vector<16xi1>, vector<16xf32>
      %add3A_218 = arith.addf %add3A_213, %select_n3A_217 : vector<16xf32>
      %eq3A_219 = arith.cmpi eq, %add3A_188, %gather3A_63 : vector<16xi32>
      %jit3A_220 = arith.constant 0.000000e+00 : f32
      %broadcast_in_dim3A_221 = vector.broadcast %jit3A_220 : f32 to vector<16xf32>
      %select_n3A_222 = arith.select %eq3A_219, %gather3A_67, %broadcast_in_dim3A_221 : vector<16xi1>, vector<16xf32>
      %add3A_223 = arith.addf %add3A_218, %select_n3A_222 : vector<16xf32>
      %eq3A_224 = arith.cmpi eq, %add3A_188, %gather3A_71 : vector<16xi32>
      %jit3A_225 = arith.constant 0.000000e+00 : f32
      %broadcast_in_dim3A_226 = vector.broadcast %jit3A_225 : f32 to vector<16xf32>
      %select_n3A_227 = arith.select %eq3A_224, %gather3A_75, %broadcast_in_dim3A_226 : vector<16xi1>, vector<16xf32>
      %add3A_228 = arith.addf %add3A_223, %select_n3A_227 : vector<16xf32>
      %eq3A_229 = arith.cmpi eq, %add3A_188, %gather3A_79 : vector<16xi32>
      %jit3A_230 = arith.constant 0.000000e+00 : f32
      %broadcast_in_dim3A_231 = vector.broadcast %jit3A_230 : f32 to vector<16xf32>
      %select_n3A_232 = arith.select %eq3A_229, %gather3A_83, %broadcast_in_dim3A_231 : vector<16xi1>, vector<16xf32>
      %add3A_233 = arith.addf %add3A_228, %select_n3A_232 : vector<16xf32>
      %eq3A_234 = arith.cmpi eq, %add3A_188, %gather3A_87 : vector<16xi32>
      %jit3A_235 = arith.constant 0.000000e+00 : f32
      %broadcast_in_dim3A_236 = vector.broadcast %jit3A_235 : f32 to vector<16xf32>
      %select_n3A_237 = arith.select %eq3A_234, %gather3A_91, %broadcast_in_dim3A_236 : vector<16xi1>, vector<16xf32>
      %add3A_238 = arith.addf %add3A_233, %select_n3A_237 : vector<16xf32>
      %eq3A_239 = arith.cmpi eq, %add3A_188, %gather3A_95 : vector<16xi32>
      %jit3A_240 = arith.constant 0.000000e+00 : f32
      %broadcast_in_dim3A_241 = vector.broadcast %jit3A_240 : f32 to vector<16xf32>
      %select_n3A_242 = arith.select %eq3A_239, %gather3A_99, %broadcast_in_dim3A_241 : vector<16xi1>, vector<16xf32>
      %add3A_243 = arith.addf %add3A_238, %select_n3A_242 : vector<16xf32>
      %eq3A_244 = arith.cmpi eq, %add3A_188, %gather3A_103 : vector<16xi32>
      %jit3A_245 = arith.constant 0.000000e+00 : f32
      %broadcast_in_dim3A_246 = vector.broadcast %jit3A_245 : f32 to vector<16xf32>
      %select_n3A_247 = arith.select %eq3A_244, %gather3A_107, %broadcast_in_dim3A_246 : vector<16xi1>, vector<16xf32>
      %add3A_248 = arith.addf %add3A_243, %select_n3A_247 : vector<16xf32>
      %eq3A_249 = arith.cmpi eq, %add3A_188, %gather3A_111 : vector<16xi32>
      %jit3A_250 = arith.constant 0.000000e+00 : f32
      %broadcast_in_dim3A_251 = vector.broadcast %jit3A_250 : f32 to vector<16xf32>
      %select_n3A_252 = arith.select %eq3A_249, %gather3A_115, %broadcast_in_dim3A_251 : vector<16xi1>, vector<16xf32>
      %add3A_253 = arith.addf %add3A_248, %select_n3A_252 : vector<16xf32>
      %eq3A_254 = arith.cmpi eq, %add3A_188, %gather3A_119 : vector<16xi32>
      %jit3A_255 = arith.constant 0.000000e+00 : f32
      %broadcast_in_dim3A_256 = vector.broadcast %jit3A_255 : f32 to vector<16xf32>
      %select_n3A_257 = arith.select %eq3A_254, %gather3A_123, %broadcast_in_dim3A_256 : vector<16xi1>, vector<16xf32>
      %add3A_258 = arith.addf %add3A_253, %select_n3A_257 : vector<16xf32>
      %eq3A_259 = arith.cmpi eq, %add3A_188, %gather3A_127 : vector<16xi32>
      %jit3A_260 = arith.constant 0.000000e+00 : f32
      %broadcast_in_dim3A_261 = vector.broadcast %jit3A_260 : f32 to vector<16xf32>
      %select_n3A_262 = arith.select %eq3A_259, %gather3A_131, %broadcast_in_dim3A_261 : vector<16xi1>, vector<16xf32>
      %add3A_263 = arith.addf %add3A_258, %select_n3A_262 : vector<16xf32>
      %eq3A_264 = arith.cmpi eq, %add3A_188, %gather3A_135 : vector<16xi32>
      %jit3A_265 = arith.constant 0.000000e+00 : f32
      %broadcast_in_dim3A_266 = vector.broadcast %jit3A_265 : f32 to vector<16xf32>
      %select_n3A_267 = arith.select %eq3A_264, %gather3A_139, %broadcast_in_dim3A_266 : vector<16xi1>, vector<16xf32>
      %add3A_268 = arith.addf %add3A_263, %select_n3A_267 : vector<16xf32>
      %eq3A_269 = arith.cmpi eq, %add3A_188, %gather3A_143 : vector<16xi32>
      %jit3A_270 = arith.constant 0.000000e+00 : f32
      %broadcast_in_dim3A_271 = vector.broadcast %jit3A_270 : f32 to vector<16xf32>
      %select_n3A_272 = arith.select %eq3A_269, %gather3A_147, %broadcast_in_dim3A_271 : vector<16xi1>, vector<16xf32>
      %add3A_273 = arith.addf %add3A_268, %select_n3A_272 : vector<16xf32>
      %eq3A_274 = arith.cmpi eq, %add3A_188, %gather3A_151 : vector<16xi32>
      %jit3A_275 = arith.constant 0.000000e+00 : f32
      %broadcast_in_dim3A_276 = vector.broadcast %jit3A_275 : f32 to vector<16xf32>
      %select_n3A_277 = arith.select %eq3A_274, %gather3A_155, %broadcast_in_dim3A_276 : vector<16xi1>, vector<16xf32>
      %add3A_278 = arith.addf %add3A_273, %select_n3A_277 : vector<16xf32>
      %eq3A_279 = arith.cmpi eq, %add3A_188, %gather3A_159 : vector<16xi32>
      %jit3A_280 = arith.constant 0.000000e+00 : f32
      %broadcast_in_dim3A_281 = vector.broadcast %jit3A_280 : f32 to vector<16xf32>
      %select_n3A_282 = arith.select %eq3A_279, %gather3A_163, %broadcast_in_dim3A_281 : vector<16xi1>, vector<16xf32>
      %add3A_283 = arith.addf %add3A_278, %select_n3A_282 : vector<16xf32>
      %eq3A_284 = arith.cmpi eq, %add3A_188, %gather3A_167 : vector<16xi32>
      %jit3A_285 = arith.constant 0.000000e+00 : f32
      %broadcast_in_dim3A_286 = vector.broadcast %jit3A_285 : f32 to vector<16xf32>
      %select_n3A_287 = arith.select %eq3A_284, %gather3A_171, %broadcast_in_dim3A_286 : vector<16xi1>, vector<16xf32>
      %add3A_288 = arith.addf %add3A_283, %select_n3A_287 : vector<16xf32>
      %mul3A_289 = arith.constant 16 : i32
      %mul3A_290 = arith.muli %scan3A_183, %mul3A_289 : i32
      %swap3A = arith.index_cast %mul3A_290 : i32 to index
      %swap3A_291 = tpu.vector_load %arg7[%swap3A] {strides = array<i32>} : memref<3200xf32, #tpu.memory_space<vmem>>, vector<16xf32>,
      %swap3A_292 = vector.shape_cast %swap3A_291 : vector<16xf32> to vector<16xf32>
      %swap3A_293 = vector.shape_cast %add3A_288 : vector<16xf32> to vector<16xf32>
      tpu.vector_store %arg7[%swap3A], %swap3A_293 {strides = array<i32>} : memref<3200xf32, #tpu.memory_space<vmem>>, vector<16xf32>,
    }
    %scan3A_176 = arith.constant 200 : i32
    %lt3A = arith.constant 31 : i32
    %lt3A_177 = arith.cmpi slt, %add3A, %lt3A : i32
    %convert_element_type3A = arith.extui %lt3A_177 : i1 to i32
    %cond3A = arith.constant 0 : i32
    %cond3A_178 = arith.cmpi ne, %convert_element_type3A, %cond3A : i32
    scf.if %cond3A_178 {
      "tpu.region"() ({
        %run_scoped3A = tpu.sem_alloc : memref<!tpu.dma_semaphore, #tpu.memory_space<semaphore_mem>>
        %dma_start3A = tpu.memref_slice %arg4[%mul3A_2] : memref<100000xf32, #tpu.memory_space<hbm>> -> memref<3200xf32, #tpu.memory_space<hbm>>
        %dma_start3A_183 = tpu.memref_slice %arg4[%mul3A_2] : memref<100000xf32, #tpu.memory_space<hbm>> -> memref<3200xf32, #tpu.memory_space<hbm>>
        tpu.enqueue_dma source(%arg7 : memref<3200xf32, #tpu.memory_space<vmem>>) target(%dma_start3A_183 : memref<3200xf32, #tpu.memory_space<hbm>>) target_semaphore(%run_scoped3A : memref<!tpu.dma_semaphore, #tpu.memory_space<semaphore_mem>>)
        %dma_wait3A = tpu.memref_slice %arg4[%mul3A_2] : memref<100000xf32, #tpu.memory_space<hbm>> -> memref<3200xf32, #tpu.memory_space<hbm>>
        %dma_wait3A_184 = tpu.memref_slice %arg4[%mul3A_2] : memref<100000xf32, #tpu.memory_space<hbm>> -> memref<3200xf32, #tpu.memory_space<hbm>>
        tpu.wait_dma2 semaphore(%run_scoped3A : memref<!tpu.dma_semaphore, #tpu.memory_space<semaphore_mem>>) src(%arg7 : memref<3200xf32, #tpu.memory_space<vmem>>) dst(%dma_wait3A_184 : memref<3200xf32, #tpu.memory_space<hbm>>)
        tpu.yield
      }) : () -> ()
    } else {
    }
    %eq3A = arith.constant 31 : i32
    %eq3A_179 = arith.cmpi eq, %add3A, %eq3A : i32
    %convert_element_type3A_180 = arith.extui %eq3A_179 : i1 to i32
    %cond3A_181 = arith.constant 0 : i32
    %cond3A_182 = arith.cmpi ne, %convert_element_type3A_180, %cond3A_181 : i32
    scf.if %cond3A_182 {
      "tpu.region"() ({
        %run_scoped3A = tpu.sem_alloc : memref<!tpu.dma_semaphore, #tpu.memory_space<semaphore_mem>>
        %dma_start3A = arith.constant 0 : i32
        %dma_start3A_183 = tpu.memref_slice %arg7[%dma_start3A] : memref<3200xf32, #tpu.memory_space<vmem>> -> memref<800xf32, #tpu.memory_space<vmem>>
        %dma_start3A_184 = tpu.memref_slice %arg4[%mul3A_2] : memref<100000xf32, #tpu.memory_space<hbm>> -> memref<800xf32, #tpu.memory_space<hbm>>
        %dma_start3A_185 = tpu.memref_slice %arg4[%mul3A_2] : memref<100000xf32, #tpu.memory_space<hbm>> -> memref<800xf32, #tpu.memory_space<hbm>>
        %dma_start3A_186 = arith.constant 0 : i32
        %dma_start3A_187 = tpu.memref_slice %arg7[%dma_start3A_186] : memref<3200xf32, #tpu.memory_space<vmem>> -> memref<800xf32, #tpu.memory_space<vmem>>
        tpu.enqueue_dma source(%dma_start3A_187 : memref<800xf32, #tpu.memory_space<vmem>>) target(%dma_start3A_185 : memref<800xf32, #tpu.memory_space<hbm>>) target_semaphore(%run_scoped3A : memref<!tpu.dma_semaphore, #tpu.memory_space<semaphore_mem>>)
        %dma_wait3A = arith.constant 0 : i32
        %dma_wait3A_188 = tpu.memref_slice %arg7[%dma_wait3A] : memref<3200xf32, #tpu.memory_space<vmem>> -> memref<800xf32, #tpu.memory_space<vmem>>
        %dma_wait3A_189 = tpu.memref_slice %arg4[%mul3A_2] : memref<100000xf32, #tpu.memory_space<hbm>> -> memref<800xf32, #tpu.memory_space<hbm>>
        %dma_wait3A_190 = tpu.memref_slice %arg4[%mul3A_2] : memref<100000xf32, #tpu.memory_space<hbm>> -> memref<800xf32, #tpu.memory_space<hbm>>
        %dma_wait3A_191 = arith.constant 0 : i32
        %dma_wait3A_192 = tpu.memref_slice %arg7[%dma_wait3A_191] : memref<3200xf32, #tpu.memory_space<vmem>> -> memref<800xf32, #tpu.memory_space<vmem>>
        tpu.wait_dma2 semaphore(%run_scoped3A : memref<!tpu.dma_semaphore, #tpu.memory_space<semaphore_mem>>) src(%dma_wait3A_192 : memref<800xf32, #tpu.memory_space<vmem>>) dst(%dma_wait3A_190 : memref<800xf32, #tpu.memory_space<hbm>>)
        tpu.yield
      }) : () -> ()
    } else {
    }
    return
  }
}

module attributes {stable_mosaic.version = 14 : i64} {
  func.func @_bcast_kernel(%arg0: i32, %arg1: memref<2048x1xf32, #tpu.memory_space<vmem>>, %arg2: memref<2048x1024xf32, #tpu.memory_space<vmem>>) attributes {dimension_semantics = [#tpu.dimension_semantics<arbitrary>], iteration_bounds = array<i64: 49>, scalar_prefetch = 0 : i64, scratch_operands = 0 : i64, tpu.core_type = #tpu.core_type<tc>, window_params = [{transform_indices = @transform_0, window_bounds = array<i64: 2048, 1>}, {transform_indices = @transform_1, window_bounds = array<i64: 2048, 1024>}]} {
    %get3A = arith.constant 0 : index
    %get3A_0 = arith.constant 0 : index
    %get3A_1 = vector.load %arg1[%get3A, %get3A_0] : memref<2048x1xf32, #tpu.memory_space<vmem>>, vector<2048x1xf32>
    %broadcast_in_dim3A = vector.shape_cast %get3A_1 : vector<2048x1xf32> to vector<2048x1xf32>
    %broadcast_in_dim3A_2 = vector.broadcast %broadcast_in_dim3A : vector<2048x1xf32> to vector<2048x1024xf32>
    %swap3A = arith.constant 0 : index
    %swap3A_3 = arith.constant 0 : index
    %swap3A_4 = vector.load %arg2[%swap3A, %swap3A_3] : memref<2048x1024xf32, #tpu.memory_space<vmem>>, vector<2048x1024xf32>
    tpu.vector_store %arg2[%swap3A, %swap3A_3], %broadcast_in_dim3A_2 {strides = array<i32>} : memref<2048x1024xf32, #tpu.memory_space<vmem>>, vector<2048x1024xf32>,
    return
  }
  func.func @transform_0(%arg0: i32) -> (i32, i32) {
    %c0_i32 = arith.constant 0 : i32
    %c0_i32_0 = arith.constant 0 : i32
    return %arg0, %c0_i32 : i32, i32
  }
  func.func @transform_1(%arg0: i32) -> (i32, i32) {
    %c0_i32 = arith.constant 0 : i32
    %c0_i32_0 = arith.constant 0 : i32
    return %arg0, %c0_i32 : i32, i32
  }
}

</mosaic_0001>

<sc_bundles>
// kernel: kernel.4.cloned.1.call-start
scs
__scs_entry_jumppad:
0x0: {  	(pc) =	sbr.rel $0x88, $3  }
0x1: {  	(tag) =	ssettag $0x0;
	lr =	simm.s32 $0x1  }
0x2: {  	[smem:$0x3F9D] =	sst lr;
	_ =	strace $0xD0000000  }
0x3: {  	_ = 	snop  }
0x4: {  	_ = 	snop  }
0x5: {  	_ = 	snop  }
0x6: {  	_ = 	snop  }
0x7: {  	_ = 	snop  }
__scs_overlays_trampoline_lowered:
0x8: {  	[smem:$0x3FAC] =	sst s0  }
0x9: {  	[smem:$0x3FAD] =	sst s1  }
0xa: {  	[smem:$0x3FAE] =	sst s2  }
0xb: {  	[smem:$0x3FAF] =	sst s3  }
0xc: {  	[smem:$0x3FB0] =	sst s4  }
0xd: {  	[smem:$0x3FB1] =	sst s5  }
0xe: {  	[smem:$0x3FB2] =	sst s6  }
0xf: {  	[smem:$0x3FB3] =	sst s7  }
0x10: {  	[smem:$0x3FB4] =	sst s8  }
0x11: {  	[smem:$0x3FB5] =	sst s9;
	s0 =	simm.s32 @!p0 $0x0  }
0x12: {  	s1 =	sld [smem:$0x3F9B];
	s0 =	simm.s32 @p0 $0x1  }
0x13: {  	[smem:$0x3FB6] =	sst s0;
	s0 =	simm.s32 @!p1 $0x0  }
0x14: {  	s2 =	sld [smem:$0x3F9A];
	s0 =	simm.s32 @p1 $0x1  }
0x15: {  	[smem:$0x3FB7] =	sst s0;
	s0 =	simm.s32 @!p2 $0x0  }
0x16: {  	s3 =	sld [smem:$0x3FDB];
	s0 =	simm.s32 @p2 $0x1  }
0x17: {  	s4 =	simm.s32 $0x1BF5;
	[smem:$0x3FB9] =	sst s0  }
0x18: {  	s0 =	sld [smem:$0x3F9C];
	_ =	swait.ge [sflag:s4], $0x0  }
0x19: {  	s7 =	sld [smem:$0x3F9D]  }
0x1a: {  	s8 =	sadd.s32 $0xFFFFE003, lr  }
0x1b: {  	s9 =	sadd.s32 $0xFFFFFEF7, lr;
	s5 =	simm.s32 $0xFFFFFFFF;
	p2 =	slt.u32 s8, $0xFFFFF086  }
0x1c: {  	p1 =	slt.u32 s9, $0xF7A;
	s5 =	simm.s32 @!p2 $0x0  }
0x1d: {  	s5 =	simm.s32 @p1 $0x1;
	p0 =	seq.s32 s7, s2  }
0x1e: {  	s7 =	smul.u32 @!p0 $0xF7A, s2;
	p2 =	seq.s32 @!p0 s5, $0x0  }
0x1f: {  	s9 =	smul.u32 $0xF7A, s1;
	s8 =	simm.s32 @!p0 $0x1BF5;
	p2 =	por !p2, p0  }
0x20: {  	[sflag:s8] =	ssyncset.s32 @!p0 $0xFFFFF086;
	s6 =	sadd.s32 @!p0 s3, s7;
	s7 =	simm.s32 @!p0 $0x108  }
0x21: {  	s3 =	sadd.s32 s3, s9;
	s6 =	sadd.s32 @!p0 $0x88, s6;
	s7 =	simm.s32 @p2 $0x1082  }
0x22: {  	[simem:s7], [sflag:s8] =	dma.local @!p0 [hbm:s6], $0xF7A  }
0x23: {  	s9 =	sor.u32 $0xD0000000, s2;
	s6 =	simm.s32 $0x108;
	_ =	swait.ge @!p0 [sflag:s8], $0x0  }
0x24: {  	s3 =	sadd.s32 $0x88, s3;
	s6 =	simm.s32 @!p1 $0x1082;
	[sflag:s4] =	ssyncset.s32 $0xFFFFF086  }
0x25: {  	[simem:s6], [sflag:s4] =	dma.local [hbm:s3], $0xF7A  }
0x26: {  	[smem:$0x3F9D] =	sst s1;
	(tag) =	ssettag s2;
	_ =	strace s9  }
0x27: {  	s1 =	sld [smem:$0x3FAD]  }
0x28: {  	s2 =	sld [smem:$0x3FAE]  }
0x29: {  	s4 =	sld [smem:$0x3FB0]  }
0x2a: {  	p0 =	seq.s32 s5, $0x0;
	s5 =	sld [smem:$0x3FB1]  }
0x2b: {  	s6 =	sld [smem:$0x3FB2]  }
0x2c: {  	s7 =	sld [smem:$0x3FB3]  }
0x2d: {  	s3 =	simm.s32 $0x108;
	s8 =	sld [smem:$0x3FB4]  }
0x2e: {  	s3 =	simm.s32 @!p0 $0x1082;
	s9 =	sld [smem:$0x3FB5]  }
0x2f: {  	lr =	sadd.s32 s0, s3;
	s0 =	sld [smem:$0x3FAC]  }
0x30: {  	s3 =	sld [smem:$0x3FAF]  }
0x31: {  	[smem:$0x3FB8] =	sst s10  }
0x32: {  	s10 =	sld [smem:$0x3FB6];
	_ =	sdelay $0x3  }
0x33: {  	p0 =	seq.s32 s10, $0x1;
	s10 =	sld [smem:$0x3FB8];
	_ =	sdelay $0x3  }
0x34: {  	[smem:$0x3FB8] =	sst s10  }
0x35: {  	s10 =	sld [smem:$0x3FB7];
	_ =	sdelay $0x3  }
0x36: {  	p1 =	seq.s32 s10, $0x1;
	s10 =	sld [smem:$0x3FB8];
	_ =	sdelay $0x3  }
0x37: {  	[smem:$0x3FB8] =	sst s10  }
0x38: {  	s10 =	sld [smem:$0x3FB9]  }
0x39: {  	_ = 	snop;
	(pc) =	sbr.ind lr, $3  }
0x3a: {  	_ = 	snop  }
0x3b: {  	_ = 	snop  }
0x3c: {  	p2 =	seq.s32 s10, $0x1;
	s10 =	sld [smem:$0x3FB8]  }
0x3d: {  	_ =	shalt  }
0x3e: {  	_ =	shalt  }
0x3f: {  	_ =	shalt  }
0x40: {  	_ =	shalt  }
0x41: {  	_ =	shalt  }
0x42: {  	_ =	shalt  }
0x43: {  	_ =	shalt  }
0x44: {  	_ =	shalt  }
0x45: {  	_ =	shalt  }
0x46: {  	_ =	shalt  }
0x47: {  	_ =	shalt  }
0x48: {  	_ =	shalt  }
0x49: {  	_ =	shalt  }
0x4a: {  	_ =	shalt  }
0x4b: {  	_ =	shalt  }
0x4c: {  	_ =	shalt  }
0x4d: {  	_ =	shalt  }
0x4e: {  	_ =	shalt  }
0x4f: {  	_ =	shalt  }
0x50: {  	_ =	shalt  }
0x51: {  	_ =	shalt  }
0x52: {  	_ =	shalt  }
0x53: {  	_ =	shalt  }
0x54: {  	_ =	shalt  }
0x55: {  	_ =	shalt  }
0x56: {  	_ =	shalt  }
0x57: {  	_ =	shalt  }
0x58: {  	_ =	shalt  }
0x59: {  	_ =	shalt  }
0x5a: {  	_ =	shalt  }
0x5b: {  	_ =	shalt  }
0x5c: {  	_ =	shalt  }
0x5d: {  	_ =	shalt  }
0x5e: {  	_ =	shalt  }
0x5f: {  	_ =	shalt  }
0x60: {  	_ =	shalt  }
0x61: {  	_ =	shalt  }
0x62: {  	_ =	shalt  }
0x63: {  	_ =	shalt  }
0x64: {  	_ =	shalt  }
0x65: {  	_ =	shalt  }
0x66: {  	_ =	shalt  }
0x67: {  	_ =	shalt  }
0x68: {  	_ =	shalt  }
0x69: {  	_ =	shalt  }
0x6a: {  	_ =	shalt  }
0x6b: {  	_ =	shalt  }
0x6c: {  	_ =	shalt  }
0x6d: {  	_ =	shalt  }
0x6e: {  	_ =	shalt  }
0x6f: {  	_ =	shalt  }
0x70: {  	_ =	shalt  }
0x71: {  	_ =	shalt  }
0x72: {  	_ =	shalt  }
0x73: {  	_ =	shalt  }
0x74: {  	_ =	shalt  }
0x75: {  	_ =	shalt  }
0x76: {  	_ =	shalt  }
0x77: {  	_ =	shalt  }
0x78: {  	_ =	shalt  }
0x79: {  	_ =	shalt  }
0x7a: {  	_ =	shalt  }
0x7b: {  	_ =	shalt  }
0x7c: {  	_ =	shalt  }
0x7d: {  	_ =	shalt  }
0x7e: {  	_ =	shalt  }
0x7f: {  	_ =	shalt  }
0x80: {  	_ =	shalt  }
0x81: {  	_ =	shalt  }
0x82: {  	_ =	shalt  }
0x83: {  	_ =	shalt  }
0x84: {  	_ =	shalt  }
0x85: {  	_ =	shalt  }
0x86: {  	_ =	shalt  }
0x87: {  	_ =	shalt  }
.Lfunc_end0:
.L_simem_size_0:
called_computation_lowered:
.L_overlay_start_0:
0x88: {  	s2 =	sld [smem:$0x3FD9]  }
0x89: {  	s3 =	sld [smem:$0x3FFE];
	_ =	sdelay $0x1  }
0x8a: {  	s1 =	srdreg.scid  }
0x8b: {  	s0 =	sand.u32 $0x1, s1  }
0x8c: {  	s17 =	sshll.u32 s0, $0xA;
	s2 =	sadd.s32 s3, s2  }
0x8d: {  	s2 =	sadd.s32 s2, s17  }
0x8e: {  	[smem:$0x3FC4] =	sst s2  }
0x8f: {  	_ = 	snop  }
0x90: {  	s2 =	sld [smem:$0x3FD0];
	(tm) =	ssettm $0x1  }
0x91: {  	s18 =	sld [smem:$0x3FFB];
	_ =	sdelay $0x3  }
0x92: {  	_ =	strace s18  }
0x93: {  	s3 =	sld [smem:$0x3FFC];
	_ =	sdelay $0x3  }
0x94: {  	_ =	strace s3  }
0x95: {  	s3 =	sld [smem:$0x3FFD];
	_ =	sdelay $0x3  }
0x96: {  	_ =	strace s3  }
0x97: {  	_ =	strace $0x8FFFFFFF  }
0x98: {  	s19 =	sld [smem:$0x3FDB];
	_ =	sdelay $0x1  }
0x99: {  	s4 =	simm.s32 $_scs_section_size  }
0x9a: {  	s5 =	simm.s32 $_size__tile_overlayer_lowered;
	s6 =	simm.s32 $_tile_overlayer_lowered  }
0x9b: {  	s22 =	simm.s32 $0x1BFF;
	s21 =	sshll.u32 s6, $0x1;
	s3 =	sadd.s32 s4, s19  }
0x9c: {  	s7 =	simm.s32 $0x0;
	s20 =	sshll.u32 s5, $0x1;
	s5 =	sadd.s32 s21, s3  }
0x9d: {  	[timem:s7], [sflag:s22] =	dma.local [hbm:s5], s20  }
0x9e: {  	_ =	swait.ge [sflag:s22], s20  }
0x9f: {  	s4 =	ssub.s32 $0x0, s20;
	[sflag:s22] =	ssyncset.done $0x0  }
0xa0: {  	[sflag:s22] =	ssyncadd.s32 s4;
	_ =	sdelay $0x1  }
0xa1: {  	s23 =	simm.s32 $0x1B8B  }
0xa2: {  	_ =	swait.ge [sflag:s23], $0x1  }
0xa3: {  	[sflag:s23] =	ssyncset.done $0x0  }
0xa4: {  	s25 =	simm.s32 $0x1B8E;
	s24 =	sld [smem:$0x3FFE];
	[sflag:s23] =	ssyncadd.s32 $0xFFFFFFFF  }
0xa5: {  	s26 =	simm.s32 $execute0_lowered;
	[smem:$0x3FD2] =	sst s25  }
0xa6: {  	s5 =	sshll.u32 s26, $0x1;
	_ =	strace $0x80000046;
	[dreg:$0x1] =	wrdreg $0xFFFFFFFF  }
0xa7: {  	s28 =	simm.s32 $_size_execute0_lowered;
	s3 =	sadd.s32 s3, s5;
	[dreg:$0x0] =	wrdreg $0x0  }
0xa8: {  	s5 =	sshll.u32 s28, $0x1;
	[dreg:$0x2] =	wrdreg s3  }
0xa9: {  	[dreg:$0x3] =	wrdreg s5  }
0xaa: {  	[dreg:$0x4] =	wrdreg $0xC0  }
0xab: {  	_ =	task [dreg:s7], $0x5FFFF  }
0xac: {  	[dreg:$0x1] =	wrdreg $0xFFFFFFFF  }
0xad: {  	[dreg:$0x0] =	wrdreg $0x60  }
0xae: {  	[dreg:$0x2] =	wrdreg s24  }
0xaf: {  	[dreg:$0x3] =	wrdreg s2  }
0xb0: {  	[dreg:$0x4] =	wrdreg $0x9  }
0xb1: {  	_ =	task.clear_ibuf [dreg:s7], $0x5FFFF;
	_ =	strace $0x90000046  }
0xb2: {  	s29 =	simm.s32 $0x9;
	_ =	strace $0x80000048  }
0xb3: {  	_ =	swait.ge [sflag:s29], $0x1  }
0xb4: {  	[sflag:s29] =	ssyncadd.s32 $0xFFFFFFFF  }
0xb5: {  	_ =	strace $0x90000048  }
0xb6: {  	_ =	sfence  }
0xb7: {  	s30 =	sld [smem:$0x0];
	_ =	sdelay $0x2  }
0xb8: {  	s31 =	sshll.u32 s1, $0xD;
	s1 =	sshrl.u32 s1, $0x2  }
0xb9: {  	s3 =	sand.u32 $0x4000, s31;
	s1 =	sadd.s32 s1, s30  }
0xba: {  	s0 =	sor.u32 s3, s0;
	s1 =	sshll.u32 s1, $0x11  }
0xbb: {  	s0 =	sor.u32 s1, s0  }
0xbc: {  	s0 =	sadd.s32 $0x8F2B, s0  }
0xbd: {  	[sflag:s0] =	ssyncadd.remote.s32 $0x1  }
0xbe: {  	_ =	sfence.sel $0xFFFF  }
0xbf: {  	[dreg:$0x0] =	wrdreg $0xFFFFFFFF;
	(pc) =	sbr.abs _section_cstart, $3  }
0xc0: {  	[dreg:$0x1] =	wrdreg $0xFFFFFFFF  }
0xc1: {  	_ =	task.clear_ibuf [dreg:s7], $0x2FFFF;
	_ =	strace $0x9FFFFFFF  }
0xc2: {  	(tm) =	ssettm $0x7FFFFFFF  }
0xc3: {  	_ =	shalt  }
tec
execute0_lowered:
.L_overlay_start_1:
0x0: {  	(tag) =	ssettag $0x1  }
0x1: {  	s4 =	rddreg [dreg:$0x0]  }
0x2: {  	s6 =	rddreg [dreg:$0x1]  }
0x3: {  	s0 =	rddreg [dreg:$0x2];
	s3 =	srdreg.scid  }
0x4: {  	s1 =	stileid.u32;
	s2 =	simm.s32 $0x0;
	s5 =	sand.u32 $0x1, s3  }
0x5: {  	s31 =	sshll.u32 s1, $0x1;
	[smem:$0x7FF] =	sst s2;
	s3 =	sadd.s32 $0x200, s4  }
0x6: {  	v0 =	vimm.s32 $0x0;
	v1 =	vimm.s32 $0x1;
	s4 =	sadd.s32 $0x400, s4;
	s9 =	smul.u32 $0x1900, s1;
	s11 =	sor.u32 s5, s31  }
0x7: {  	v2 =	vimm.s32 $0x2;
	v3 =	vimm.s32 $0x3;
	v4 =	vimm.s32 $0x4;
	_ =	strace $0x80000047;
	s8 =	ssub.s32 $0x2, s5;
	s7 =	smul.u32 $0xC80, s11  }
0x8: {  	v5 =	vimm.s32 $0x5;
	v6 =	vimm.s32 $0x6;
	v7 =	vimm.s32 $0x7;
	s12 =	smul.u32 $0xC80, s5;
	s10 =	sshrl.u32 s8, $0x1;
	p0 =	seq.s32 s11, $0x1F  }
0x9: {  	v8 =	vimm.s32 $0x8;
	v9 =	vimm.s32 $0x9;
	v10 =	vimm.s32 $0xA;
	s11 =	simm.s32 $0x0;
	s8 =	ssub.s32 s8, s10;
	s7 =	sshrl.u32 s7, $0x3  }
0xa: {  	v11 =	vimm.s32 $0xB;
	v12 =	vimm.s32 $0xC;
	v13 =	vimm.s32 $0xD;
	s10 =	simm.s32 $0x80;
	s5 =	sadd.s32 s6, s7;
	s6 =	sadd.s32 $0x3070, s6  }
0xb: {  	v14 =	vimm.s32 $0xE;
	v15 =	vimm.s32 $0xF;
	v16 =	vlaneseq.u32;
	s7 =	smax.u32 s8, $0x1;
	s8 =	sadd.s32 s12, s9;
	s9 =	simm.s32 $0x1  }
.LBB2_1:
0xc: {  	[tilespmem:s2], [sflag:$0x1] =	stream.linear.gather [hbm4b:s3+s2], $0x14, $0x38;
	[tilespmem:$0xD80] =	vst v63  }
0xd: {  	_ =	swait.ge [sflag:s9], $0x14  }
0xe: {  	[sflag:s9] =	ssyncset.done $0x0  }
0xf: {  	[sflag:s9] =	ssyncadd.s32 $0xFFFFFFEC  }
0x10: {  	[tilespmem:s10], [sflag:$0x1] =	stream.linear.gather [hbm4b:s4+s2], $0x14, $0x38;
	[tilespmem:$0xD80] =	vst v63  }
0x11: {  	_ =	swait.ge [sflag:s9], $0x14  }
0x12: {  	[sflag:s9] =	ssyncset.done $0x0  }
0x13: {  	[sflag:s9] =	ssyncadd.s32 $0xFFFFFFEC  }
0x14: {  	v17 =	vld [tilespmem:$0x0]  }
0x15: {  	v18 =	vld [tilespmem:$0x80];
	_ =	sdelay $0x4  }
0x16: {  	v44 =	vperm.xlane v17, v0;
	v19 =	vperm.xlane v18, v0  }
0x17: {  	v48 =	vperm.xlane v17, v1;
	v45 =	vperm.xlane v18, v1  }
0x18: {  	v41 =	vperm.xlane v17, v2;
	v42 =	vperm.xlane v18, v2  }
0x19: {  	v36 =	vperm.xlane v17, v3;
	v37 =	vperm.xlane v18, v3  }
0x1a: {  	v32 =	vperm.xlane v17, v4;
	v33 =	vperm.xlane v18, v4  }
0x1b: {  	v58 =	vor.u32 s8, v16;
	v28 =	vperm.xlane v17, v5;
	v29 =	vperm.xlane v18, v5  }
0x1c: {  	v25 =	vperm.xlane v17, v6;
	v26 =	vperm.xlane v18, v6;
	v57 =	vadd.f32 $0.0e+00, v19  }
0x1d: {  	v30 =	vperm.xlane v17, v7;
	vm0 =	veq.s32 v58, v44;
	vm1 =	veq.s32 v58, v48  }
0x1e: {  	v38 =	vperm.xlane v18, v7;
	v20 =	vnsel vm1, $0x0, v45;
	v19 =	vnsel vm0, $0x0, v57  }
0x1f: {  	v43 =	vperm.xlane v17, v8;
	vm0 =	veq.s32 v58, v41;
	v19 =	vadd.f32 v20, v19  }
0x20: {  	v49 =	vperm.xlane v18, v8;
	v46 =	vperm.xlane v17, v9;
	v20 =	vnsel vm0, $0x0, v42  }
0x21: {  	v50 =	vperm.xlane v18, v9;
	vm0 =	veq.s32 v58, v36;
	v19 =	vadd.f32 v19, v20  }
0x22: {  	v55 =	vperm.xlane v17, v10;
	v51 =	vperm.xlane v18, v10;
	v20 =	vnsel vm0, $0x0, v37  }
0x23: {  	v52 =	vperm.xlane v17, v11;
	vm0 =	veq.s32 v58, v32;
	v19 =	vadd.f32 v19, v20  }
0x24: {  	v35 =	vld [tilespmem:$0x10];
	v56 =	vperm.xlane v18, v11;
	v53 =	vperm.xlane v17, v12;
	v20 =	vnsel vm0, $0x0, v33  }
0x25: {  	v59 =	vld [tilespmem:$0x90];
	v47 =	vperm.xlane v18, v12;
	vm0 =	veq.s32 v58, v28;
	v19 =	vadd.f32 v19, v20  }
0x26: {  	v54 =	vperm.xlane v17, v13;
	v39 =	vperm.xlane v18, v13;
	v20 =	vnsel vm0, $0x0, v29  }
0x27: {  	v40 =	vperm.xlane v17, v14;
	vm0 =	veq.s32 v58, v25;
	v19 =	vadd.f32 v19, v20  }
0x28: {  	v34 =	vperm.xlane v18, v14;
	v31 =	vperm.xlane v17, v15;
	v17 =	vnsel vm0, $0x0, v26  }
0x29: {  	v24 =	vperm.xlane v18, v15;
	vm0 =	veq.s32 v58, v30;
	v17 =	vadd.f32 v19, v17  }
0x2a: {  	v27 =	vperm.xlane v35, v0;
	v22 =	vperm.xlane v59, v0;
	v18 =	vnsel vm0, $0x0, v38  }
0x2b: {  	v23 =	vperm.xlane v35, v1;
	vm0 =	veq.s32 v58, v43;
	v17 =	vadd.f32 v17, v18  }
0x2c: {  	v21 =	vperm.xlane v59, v1;
	v19 =	vnsel vm0, $0x0, v49;
	vm0 =	veq.s32 v58, v46  }
0x2d: {  	v20 =	vperm.xlane v35, v2;
	v63 =	vnsel vm0, $0x0, v50;
	v60 =	vadd.f32 v17, v19  }
0x2e: {  	s12 =	sadd.s32 $0x10, s8;
	vm0 =	veq.s32 v58, v55;
	v18 =	vperm.xlane v59, v2;
	v19 =	vperm.xlane v35, v3  }
0x2f: {  	v17 =	vperm.xlane v59, v3;
	v35 =	vor.u32 s12, v16;
	v59 =	vadd.f32 v60, v63  }
0x30: {  	vm1 =	veq.s32 v58, v53;
	vm2 =	veq.s32 v35, v44;
	v60 =	vnsel vm0, $0x0, v51  }
0x31: {  	vm3 =	veq.s32 v35, v48;
	vm0 =	veq.s32 v58, v52;
	v59 =	vadd.f32 v59, v60  }
0x32: {  	v61 =	vnsel vm3, $0x0, v45;
	v62 =	vnsel vm0, $0x0, v56;
	v60 =	vnsel vm2, $0x0, v57  }
0x33: {  	vm0 =	veq.s32 v35, v41;
	v60 =	vadd.f32 v61, v60;
	v59 =	vadd.f32 v59, v62  }
0x34: {  	v61 =	vnsel vm0, $0x0, v42;
	vm0 =	veq.s32 v58, v54;
	v62 =	vnsel vm1, $0x0, v47  }
0x35: {  	vm1 =	veq.s32 v35, v36;
	v60 =	vadd.f32 v60, v61;
	v59 =	vadd.f32 v59, v62  }
0x36: {  	v61 =	vnsel vm1, $0x0, v37;
	vm1 =	veq.s32 v35, v32;
	v62 =	vnsel vm0, $0x0, v39  }
0x37: {  	vm0 =	veq.s32 v58, v40;
	v60 =	vadd.f32 v60, v61;
	v59 =	vadd.f32 v59, v62  }
0x38: {  	v61 =	vnsel vm1, $0x0, v33;
	vm1 =	veq.s32 v35, v28;
	v62 =	vnsel vm0, $0x0, v34  }
0x39: {  	vm0 =	veq.s32 v58, v31;
	v60 =	vadd.f32 v60, v61;
	v59 =	vadd.f32 v59, v62  }
0x3a: {  	v61 =	vnsel vm1, $0x0, v29;
	vm1 =	veq.s32 v35, v25;
	v62 =	vnsel vm0, $0x0, v24  }
0x3b: {  	vm0 =	veq.s32 v58, v27;
	v60 =	vadd.f32 v60, v61;
	v59 =	vadd.f32 v59, v62  }
0x3c: {  	v61 =	vnsel vm1, $0x0, v26;
	vm1 =	veq.s32 v35, v30;
	v62 =	vnsel vm0, $0x0, v22  }
0x3d: {  	vm0 =	veq.s32 v58, v23;
	v60 =	vadd.f32 v60, v61;
	v59 =	vadd.f32 v59, v62  }
0x3e: {  	v61 =	vnsel vm1, $0x0, v38;
	vm1 =	veq.s32 v35, v43;
	v62 =	vnsel vm0, $0x0, v21  }
0x3f: {  	vm0 =	veq.s32 v58, v20;
	v60 =	vadd.f32 v60, v61;
	v59 =	vadd.f32 v59, v62  }
0x40: {  	v61 =	vnsel vm1, $0x0, v49;
	vm1 =	veq.s32 v35, v46;
	v62 =	vnsel vm0, $0x0, v18  }
0x41: {  	s14 =	sadd.s32 $0x10, s12;
	vm0 =	veq.s32 v58, v19;
	v60 =	vadd.f32 v60, v61;
	v59 =	vadd.f32 v59, v62  }
0x42: {  	v58 =	vor.u32 s14, v16;
	v61 =	vnsel vm1, $0x0, v50;
	v62 =	vnsel vm0, $0x0, v17  }
0x43: {  	s13 =	simm.s32 $0x80;
	vm0 =	veq.s32 v35, v55;
	v60 =	vadd.f32 v60, v61;
	v59 =	vadd.f32 v59, v62  }
0x44: {  	s15 =	simm.s32 $0xC0;
	s16 =	simm.s32 $0x0;
	s12 =	simm.s32 $0x40;
	vm1 =	veq.s32 v35, v52;
	v61 =	vnsel vm0, $0x0, v51;
	vm0 =	veq.s32 v35, v53  }
.LBB2_2:
0x45: {  	p1 =	sne.s32 s15, $0x31C0;
	vm2 =	veq.s32 v58, v44;
	vm3 =	veq.s32 v58, v48;
	v60 =	vadd.f32 v60, v61;
	[tilespmem:s16+$0x100] =	vst v59;
	s17 =	smov.u32 s13;
	s13 =	smov.u32 s15  }
0x46: {  	v62 =	vnsel vm1, $0x0, v56;
	v59 =	vnsel vm2, $0x0, v57;
	v61 =	vnsel vm3, $0x0, v45  }
0x47: {  	vm1 =	veq.s32 v58, v41;
	v59 =	vadd.f32 v61, v59;
	v60 =	vadd.f32 v60, v62  }
0x48: {  	v61 =	vnsel vm1, $0x0, v42;
	v62 =	vnsel vm0, $0x0, v47;
	vm0 =	veq.s32 v35, v54  }
0x49: {  	vm1 =	veq.s32 v58, v36;
	v59 =	vadd.f32 v59, v61;
	v60 =	vadd.f32 v60, v62  }
0x4a: {  	v61 =	vnsel vm1, $0x0, v37;
	v62 =	vnsel vm0, $0x0, v39;
	vm0 =	veq.s32 v35, v40  }
0x4b: {  	vm1 =	veq.s32 v58, v32;
	v59 =	vadd.f32 v59, v61;
	v60 =	vadd.f32 v60, v62  }
0x4c: {  	v61 =	vnsel vm1, $0x0, v33;
	v62 =	vnsel vm0, $0x0, v34;
	vm0 =	veq.s32 v35, v31  }
0x4d: {  	vm1 =	veq.s32 v58, v28;
	v59 =	vadd.f32 v59, v61;
	v60 =	vadd.f32 v60, v62  }
0x4e: {  	v61 =	vnsel vm1, $0x0, v29;
	v62 =	vnsel vm0, $0x0, v24;
	vm0 =	veq.s32 v35, v27  }
0x4f: {  	vm1 =	veq.s32 v58, v25;
	v59 =	vadd.f32 v59, v61;
	v60 =	vadd.f32 v60, v62  }
0x50: {  	v61 =	vnsel vm1, $0x0, v26;
	v62 =	vnsel vm0, $0x0, v22;
	vm0 =	veq.s32 v35, v23  }
0x51: {  	vm1 =	veq.s32 v58, v30;
	v59 =	vadd.f32 v59, v61;
	v60 =	vadd.f32 v60, v62  }
0x52: {  	v61 =	vnsel vm1, $0x0, v38;
	v62 =	vnsel vm0, $0x0, v21;
	vm0 =	veq.s32 v35, v20  }
0x53: {  	vm1 =	veq.s32 v58, v43;
	v59 =	vadd.f32 v59, v61;
	v60 =	vadd.f32 v60, v62  }
.Ltmp0:
0x54: {  	v61 =	vnsel vm1, $0x0, v49;
	v62 =	vnsel vm0, $0x0, v18;
	vm0 =	veq.s32 v35, v19;
	v35 =	vmovc v58;
	(pc) =	sbr.rel @p1 .LBB2_2-.Ltmp0, $4  }
0x55: {  	s14 =	sadd.s32 $0x10, s14;
	vm1 =	veq.s32 v35, v46;
	v59 =	vadd.f32 v59, v61;
	v61 =	vadd.f32 v60, v62  }
0x56: {  	v58 =	vor.u32 s14, v16;
	v60 =	vnsel vm1, $0x0, v50;
	v62 =	vnsel vm0, $0x0, v17  }
0x57: {  	vm0 =	veq.s32 v35, v55;
	v60 =	vadd.f32 v59, v60;
	v59 =	vadd.f32 v61, v62  }
0x58: {  	s15 =	sadd.s32 $0x40, s15;
	s16 =	sshra.s32 s12, $0x2;
	s12 =	smov.u32 s17;
	vm1 =	veq.s32 v35, v52;
	v61 =	vnsel vm0, $0x0, v51;
	vm0 =	veq.s32 v35, v53  }
0x59: {  	vm2 =	veq.s32 v58, v44;
	vm3 =	veq.s32 v58, v48  }
0x5a: {  	v44 =	vnsel vm2, $0x0, v57;
	v45 =	vnsel vm3, $0x0, v45  }
0x5b: {  	vm15 =	veq.s32 v58, v41;
	v44 =	vadd.f32 v45, v44  }
0x5c: {  	v41 =	vnsel vm15, $0x0, v42  }
0x5d: {  	vm4 =	veq.s32 v58, v36;
	v41 =	vadd.f32 v44, v41  }
0x5e: {  	v36 =	vnsel vm4, $0x0, v37  }
0x5f: {  	vm5 =	veq.s32 v58, v32;
	v36 =	vadd.f32 v41, v36  }
0x60: {  	v32 =	vnsel vm5, $0x0, v33  }
0x61: {  	vm6 =	veq.s32 v58, v28;
	v32 =	vadd.f32 v36, v32  }
0x62: {  	v28 =	vnsel vm6, $0x0, v29  }
0x63: {  	vm7 =	veq.s32 v58, v25;
	v28 =	vadd.f32 v32, v28  }
0x64: {  	v25 =	vnsel vm7, $0x0, v26  }
0x65: {  	vm8 =	veq.s32 v58, v30;
	v25 =	vadd.f32 v28, v25  }
0x66: {  	v33 =	vnsel vm8, $0x0, v38  }
0x67: {  	vm9 =	veq.s32 v58, v43;
	v25 =	vadd.f32 v25, v33  }
0x68: {  	v36 =	vnsel vm9, $0x0, v49  }
0x69: {  	vm10 =	veq.s32 v58, v46;
	v25 =	vadd.f32 v25, v36  }
0x6a: {  	v37 =	vnsel vm10, $0x0, v50  }
0x6b: {  	vm11 =	veq.s32 v58, v55;
	v25 =	vadd.f32 v25, v37  }
0x6c: {  	v38 =	vadd.f32 v60, v61;
	v41 =	vnsel vm11, $0x0, v51  }
0x6d: {  	vm12 =	veq.s32 v58, v52;
	v42 =	vnsel vm1, $0x0, v56;
	v25 =	vadd.f32 v25, v41  }
0x6e: {  	v43 =	vnsel vm12, $0x0, v56;
	v26 =	vadd.f32 v38, v42  }
0x6f: {  	vm13 =	veq.s32 v58, v53;
	v44 =	vnsel vm0, $0x0, v47;
	v25 =	vadd.f32 v25, v43  }
0x70: {  	vm14 =	veq.s32 v35, v54;
	v45 =	vnsel vm13, $0x0, v47;
	v26 =	vadd.f32 v26, v44  }
0x71: {  	v46 =	vnsel vm14, $0x0, v39;
	vm15 =	veq.s32 v58, v54;
	v25 =	vadd.f32 v25, v45  }
0x72: {  	vm4 =	veq.s32 v35, v40;
	v47 =	vnsel vm15, $0x0, v39;
	v26 =	vadd.f32 v26, v46  }
0x73: {  	vm5 =	veq.s32 v58, v40;
	v48 =	vnsel vm4, $0x0, v34;
	v25 =	vadd.f32 v25, v47  }
0x74: {  	vm6 =	veq.s32 v35, v31;
	v49 =	vnsel vm5, $0x0, v34;
	v26 =	vadd.f32 v26, v48  }
0x75: {  	vm7 =	veq.s32 v58, v31;
	v50 =	vnsel vm6, $0x0, v24;
	v25 =	vadd.f32 v25, v49  }
0x76: {  	vm8 =	veq.s32 v35, v27;
	v51 =	vnsel vm7, $0x0, v24;
	v26 =	vadd.f32 v26, v50  }
0x77: {  	v52 =	vnsel vm8, $0x0, v22;
	vm9 =	veq.s32 v58, v27;
	v24 =	vadd.f32 v25, v51  }
0x78: {  	vm10 =	veq.s32 v35, v23;
	v54 =	vnsel vm9, $0x0, v22;
	v53 =	vadd.f32 v26, v52  }
0x79: {  	v55 =	vnsel vm10, $0x0, v21;
	vm11 =	veq.s32 v58, v23;
	v22 =	vadd.f32 v24, v54  }
0x7a: {  	vm12 =	veq.s32 v35, v20;
	v57 =	vnsel vm11, $0x0, v21;
	v56 =	vadd.f32 v53, v55  }
0x7b: {  	v60 =	vnsel vm12, $0x0, v18;
	vm13 =	veq.s32 v58, v20;
	v61 =	vadd.f32 v22, v57  }
0x7c: {  	vm14 =	veq.s32 v35, v19;
	v18 =	vnsel vm13, $0x0, v18;
	v62 =	vadd.f32 v56, v60  }
0x7d: {  	v63 =	vnsel vm14, $0x0, v17;
	vm15 =	veq.s32 v58, v19;
	v18 =	vadd.f32 v61, v18  }
0x7e: {  	v17 =	vnsel vm15, $0x0, v17;
	v19 =	vadd.f32 v62, v63  }
0x7f: {  	[tilespmem:s16+$0x100] =	vst v59;
	s12 =	sshra.s32 s12, $0x2;
	v17 =	vadd.f32 v18, v17  }
0x80: {  	s31 =	sshra.s32 s13, $0x2;
	[tilespmem:s12+$0x100] =	vst v19  }
0x81: {  	s13 =	simm.s32 @p0 $0x100;
	s12 =	simm.s32 @p0 $0x0;
	[tilespmem:s31+$0x100] =	vst v17  }
0x82: {  	[hbm4b:s6+s12] =	stream.linear.scatter @p0 [tilespmem:s13], [sflag:$0x1], $0x320, $0x38;
	[tilespmem:$0xD80] =	vst v63  }
0x83: {  	s12 =	simm.s32 @p0 $0x1  }
0x84: {  	s11 =	sadd.s32 $0x1, s11;
	_ =	swait.ge @p0 [sflag:s12], $0x320  }
0x85: {  	p1 =	sne.s32 s11, s7;
	[sflag:s12] =	ssyncset.done @p0 $0x0  }
0x86: {  	s13 =	simm.s32 @!p0 $0x100;
	[sflag:s12] =	ssyncadd.s32 @p0 $0xFFFFFCE0;
	s12 =	simm.s32 @!p0 $0x0  }
0x87: {  	[hbm4b:s5+s12] =	stream.linear.scatter @!p0 [tilespmem:s13], [sflag:$0x1], $0xC80, $0x38;
	[tilespmem:$0xD80] =	vst v63  }
.Ltmp1:
0x88: {  	_ = 	snop;
	(pc) =	sbr.rel @p1 .LBB2_1-.Ltmp1, $4  }
0x89: {  	s12 =	simm.s32 @!p0 $0x1  }
0x8a: {  	_ =	swait.ge @!p0 [sflag:s12], $0xC80  }
0x8b: {  	[sflag:s12] =	ssyncset.done @!p0 $0x0  }
0x8c: {  	[sflag:s12] =	ssyncadd.s32 @!p0 $0xFFFFF380  }
0x8d: {  	_ =	sfence.sel $0x180000  }
0x8e: {  	[bflag:$0x0] =	sbarrier.arrive $0xFFFF  }
0x8f: {  	p0 =	sne.s32 s1, $0x0;
	_ =	strace $0x90000047  }
0x90: {  	s0 =	sadd.s32 @!p0 $0x100000, s0;
	[bflag:$0x2] =	sbarrier.arrive $0xFFFF  }
0x91: {  	[sflag:s0] =	ssyncadd.tile.s32 @!p0 $0x1;
	_ =	shalt  }
.Lfunc_end2:
_tile_overlayer_lowered:
.L_overlay_start_2:
0x92: {  	(tag) =	ssettag $0x2  }
0x93: {  	s0 =	rddreg [dreg:$0x0];
	s2 =	stileid.u32  }
0x94: {  	s1 =	rddreg [dreg:$0x1];
	p0 =	sne.s32 s2, $0x0  }
0x95: {  	s3 =	rddreg [dreg:$0x2];
	[bflag:$0x3] =	sbarrier.arrive $0xFFFF;
	s2 =	simm.s32 @!p0 $0x1C01  }
0x96: {  	[timem:s3], [sflag:s2] =	dma.local @!p0 [hbm:s0], s1  }
0x97: {  	s0 =	simm.s32 @!p0 $0x1  }
0x98: {  	_ =	swait.ge @!p0 [sflag:s0], s1  }
0x99: {  	s1 =	ssub.s32 @!p0 $0x0, s1;
	[sflag:s0] =	ssyncset.done @!p0 $0x0  }
0x9a: {  	[sflag:s0] =	ssyncadd.s32 @!p0 s1  }
0x9b: {  	[bflag:$0x3] =	sbarrier.arrive $0xFFFF  }
0x9c: {  	_ =	shalt  }

</sc_bundles>
